<compile_context>
chip_gen: v7x
topology: tpu7x:2x2x1
jax: 0.10.2.dev20260603
libtpu: 0.0.44.dev20260713+nightly
codegen_flags: <defaults>
</compile_context>

<pallas_src>
import functools

import jax
import jax.numpy as jnp
from jax import lax
from jax.experimental import pallas as pl
from jax.experimental.pallas import tpu as pltpu
from jax.experimental.pallas import tpu_sc as plsc

K = 8192
D = 64
N = 9216
ROWS = 512
NBLK = N // ROWS

NW = 32
B_PER_W = N // NW
CHUNK = 96
NCHUNK = B_PER_W // CHUNK


NWIN = 4
WCOLS = K // NWIN


def _distance_argmin_body(x_ref, w_ref, x2_ref, w2_ref, idx_ref, loss_ref):
    x = x_ref[...]
    x2 = x2_ref[...].reshape(ROWS, 1)
    xb = x.astype(jnp.bfloat16)
    ids = lax.broadcasted_iota(jnp.int32, (ROWS, WCOLS), 1)
    acc_i = acc_b = m_chosen = None
    for c in range(NWIN):
        wc = w_ref[c * WCOLS:(c + 1) * WCOLS, :]
        w2c = w2_ref[c * WCOLS:(c + 1) * WCOLS]
        mm2c = lax.dot_general(xb, (wc * 2.0).astype(jnp.bfloat16),
                               (((1,), (1,)), ((), ())),
                               preferred_element_type=jnp.float32)
        dc = (x2 + w2c[None, :]) - mm2c
        mc = jnp.min(dc, axis=1, keepdims=True)
        ic = jnp.min(jnp.where(dc == mc, ids + c * WCOLS, jnp.int32(K)), axis=1)
        mcb = mc.astype(jnp.bfloat16).astype(jnp.float32)
        if c == 0:
            acc_i, acc_b, m_chosen = ic, mcb, mc
        else:
            sel = mc < acc_b
            acc_i = jnp.where(sel[:, 0], ic, acc_i)
            acc_b = jnp.where(sel, mcb, acc_b)
            m_chosen = jnp.where(sel, mc, m_chosen)
    idx_ref[...] = acc_i.reshape(1, 1, ROWS)
    m = m_chosen

    @pl.when(pl.program_id(0) == 0)
    def _():
        loss_ref[0, 0] = 0.0

    loss_ref[0, 0] += jnp.sum(m)

    @pl.when(pl.program_id(0) == NBLK - 1)
    def _():
        loss_ref[0, 0] *= 1.25 / (N * D)


_distance_argmin = pl.pallas_call(
    _distance_argmin_body,
    grid=(NBLK,),
    in_specs=[
        pl.BlockSpec((ROWS, D), lambda i: (i, 0)),
        pl.BlockSpec((K, D), lambda i: (0, 0)),
        pl.BlockSpec((ROWS,), lambda i: (i,)),
        pl.BlockSpec((K,), lambda i: (0,)),
    ],
    out_specs=[
        pl.BlockSpec((1, 1, ROWS), lambda i: (i, 0, 0)),
        pl.BlockSpec(memory_space=pltpu.SMEM),
    ],
    out_shape=[
        jax.ShapeDtypeStruct((NBLK, 1, ROWS), jnp.int32),
        jax.ShapeDtypeStruct((1, 1), jnp.float32),
    ],
)


@functools.partial(
    pl.kernel,
    out_type=jax.ShapeDtypeStruct((N, D), jnp.float32),
    mesh=plsc.VectorSubcoreMesh(core_axis_name="c", subcore_axis_name="s"),
    compiler_params=pltpu.CompilerParams(use_tc_tiling_on_sc=False),
    scratch_types=(
        [pltpu.VMEM((CHUNK,), jnp.int32) for _ in range(NCHUNK)]
        + [pltpu.VMEM((CHUNK, D), jnp.float32) for _ in range(NCHUNK)]
        + [pltpu.SemaphoreType.DMA]
    ),
)
def _gather_rows(table_hbm, idx_hbm, out_hbm, i0, i1, i2, r0, r1, r2, sem):
    wid = lax.axis_index("s") * 2 + lax.axis_index("c")
    base = wid * B_PER_W
    idx_bufs = (i0, i1, i2)
    row_bufs = (r0, r1, r2)
    for c in range(NCHUNK):
        pltpu.sync_copy(idx_hbm.at[pl.ds(base + c * CHUNK, CHUNK)], idx_bufs[c])
    copies = [
        pltpu.async_copy(table_hbm.at[idx_bufs[c]], row_bufs[c], sem)
        for c in range(NCHUNK)
    ]
    for cp in copies:
        cp.wait()
    for c in range(NCHUNK):
        pltpu.sync_copy(row_bufs[c], out_hbm.at[pl.ds(base + c * CHUNK, CHUNK)])


def kernel(inputs, embed_w):
    flat = inputs.reshape(-1, D)
    x2 = jnp.sum(flat ** 2, axis=1)
    w2 = jnp.sum(embed_w ** 2, axis=1)
    idx3, loss = _distance_argmin(flat, embed_w, x2, w2)
    idx = idx3.reshape(N)
    quantized = _gather_rows(embed_w, idx).reshape(inputs.shape)
    return quantized, loss[0, 0], idx

# --- scband reference (transcript-rebuilt; emitter-appended) ---
"""Pipeline reference for scband-vector-quantizer2-26551487824077 (READ-ONLY COPY).

The authoritative reference and input builder live on the scoring server;
editing this copy changes nothing except your own understanding.
"""

import jax, jax.numpy as jnp
import numpy as np

NUM_EMBEDDINGS = 8192
EMBEDDING_DIM = 64
COMMITMENT_COST = 0.25


def setup_inputs(seed: int = 0) -> dict:
    key = jax.random.key(seed)
    k1, k2 = jax.random.split(key)
    inputs = jax.random.normal(k1, (16, 576, EMBEDDING_DIM), dtype=jnp.float32)
    # embedding weight initialized uniform(-1/K, 1/K) like the torch module
    embed_w = jax.random.uniform(
        k2, (NUM_EMBEDDINGS, EMBEDDING_DIM), dtype=jnp.float32,
        minval=-1.0 / NUM_EMBEDDINGS, maxval=1.0 / NUM_EMBEDDINGS)
    return {"inputs": inputs, "embed_w": embed_w}


def reference(inputs, embed_w):
    input_shape = inputs.shape
    flat_input = inputs.reshape(-1, EMBEDDING_DIM)
    distances = (
        jnp.sum(flat_input ** 2, axis=1, keepdims=True)
        + jnp.sum(embed_w ** 2, axis=1)
        - 2.0 * jnp.matmul(flat_input, embed_w.T)
    )
    encoding_indices = jnp.argmin(distances, axis=1)
    quantized = jnp.take(embed_w, encoding_indices, axis=0)
    e_latent_loss = jnp.mean((jax.lax.stop_gradient(quantized) - flat_input) ** 2)
    q_latent_loss = jnp.mean((quantized - jax.lax.stop_gradient(flat_input)) ** 2)
    loss = q_latent_loss + COMMITMENT_COST * e_latent_loss
    quantized = flat_input + jax.lax.stop_gradient(quantized - flat_input)
    quantized = quantized.reshape(input_shape)
    return quantized, loss, encoding_indices

if __name__ == "__main__":
    import jax
    _d = setup_inputs()
    print(jax.jit(kernel)(*tuple(_d.values())))

</pallas_src>

<mosaic_0001>
#map = affine_map<(d0, d1) -> (0, 0)>
#map1 = affine_map<(d0, d1) -> (0)>
module attributes {stable_mosaic.version = 14 : i64} {
  func.func @_gather_rows(%arg0: i32, %arg1: i32, %arg2: memref<8192x64xf32, #tpu.memory_space<hbm>>, %arg3: memref<9216xi32, #tpu.memory_space<hbm>>, %arg4: memref<9216x64xf32, #tpu.memory_space<hbm>>, %arg5: memref<96xi32, #tpu.memory_space<vmem>>, %arg6: memref<96xi32, #tpu.memory_space<vmem>>, %arg7: memref<96xi32, #tpu.memory_space<vmem>>, %arg8: memref<96x64xf32, #tpu.memory_space<vmem>>, %arg9: memref<96x64xf32, #tpu.memory_space<vmem>>, %arg10: memref<96x64xf32, #tpu.memory_space<vmem>>, %arg11: memref<!tpu.dma_semaphore, #tpu.memory_space<semaphore_mem>>) attributes {dimension_semantics = [#tpu.dimension_semantics<core_parallel>, #tpu.dimension_semantics<subcore_parallel>], iteration_bounds = array<i64: 2, 16>, scalar_prefetch = 0 : i64, scratch_operands = 7 : i64, tpu.core_type = #tpu.core_type<sc_vector_subcore>, window_params = [{transform_indices = #map}, {transform_indices = #map1}, {transform_indices = #map}]} {
    %mul3A = arith.constant 2 : i32
    %mul3A_0 = arith.muli %arg1, %mul3A : i32
    %add3A = arith.addi %mul3A_0, %arg0 : i32
    %mul3A_1 = arith.constant 288 : i32
    %mul3A_2 = arith.muli %add3A, %mul3A_1 : i32
    %add3A_3 = arith.constant 0 : i32
    %add3A_4 = arith.addi %mul3A_2, %add3A_3 : i32
    "tpu.region"() ({
      %run_scoped3A = tpu.sem_alloc : memref<!tpu.dma_semaphore, #tpu.memory_space<semaphore_mem>>
      %dma_start3A_31 = tpu.memref_slice %arg3[%add3A_4] : memref<9216xi32, #tpu.memory_space<hbm>> -> memref<96xi32, #tpu.memory_space<hbm>>
      %dma_start3A_32 = tpu.memref_slice %arg3[%add3A_4] : memref<9216xi32, #tpu.memory_space<hbm>> -> memref<96xi32, #tpu.memory_space<hbm>>
      tpu.enqueue_dma source(%dma_start3A_32 : memref<96xi32, #tpu.memory_space<hbm>>) target(%arg5 : memref<96xi32, #tpu.memory_space<vmem>>) target_semaphore(%run_scoped3A : memref<!tpu.dma_semaphore, #tpu.memory_space<semaphore_mem>>)
      %dma_wait3A_33 = tpu.memref_slice %arg3[%add3A_4] : memref<9216xi32, #tpu.memory_space<hbm>> -> memref<96xi32, #tpu.memory_space<hbm>>
      %dma_wait3A_34 = tpu.memref_slice %arg3[%add3A_4] : memref<9216xi32, #tpu.memory_space<hbm>> -> memref<96xi32, #tpu.memory_space<hbm>>
      tpu.wait_dma2 semaphore(%run_scoped3A : memref<!tpu.dma_semaphore, #tpu.memory_space<semaphore_mem>>) src(%dma_wait3A_34 : memref<96xi32, #tpu.memory_space<hbm>>) dst(%arg5 : memref<96xi32, #tpu.memory_space<vmem>>)
      tpu.yield
    }) : () -> ()
    %add3A_5 = arith.constant 96 : i32
    %add3A_6 = arith.addi %mul3A_2, %add3A_5 : i32
    "tpu.region"() ({
      %run_scoped3A = tpu.sem_alloc : memref<!tpu.dma_semaphore, #tpu.memory_space<semaphore_mem>>
      %dma_start3A_31 = tpu.memref_slice %arg3[%add3A_6] : memref<9216xi32, #tpu.memory_space<hbm>> -> memref<96xi32, #tpu.memory_space<hbm>>
      %dma_start3A_32 = tpu.memref_slice %arg3[%add3A_6] : memref<9216xi32, #tpu.memory_space<hbm>> -> memref<96xi32, #tpu.memory_space<hbm>>
      tpu.enqueue_dma source(%dma_start3A_32 : memref<96xi32, #tpu.memory_space<hbm>>) target(%arg6 : memref<96xi32, #tpu.memory_space<vmem>>) target_semaphore(%run_scoped3A : memref<!tpu.dma_semaphore, #tpu.memory_space<semaphore_mem>>)
      %dma_wait3A_33 = tpu.memref_slice %arg3[%add3A_6] : memref<9216xi32, #tpu.memory_space<hbm>> -> memref<96xi32, #tpu.memory_space<hbm>>
      %dma_wait3A_34 = tpu.memref_slice %arg3[%add3A_6] : memref<9216xi32, #tpu.memory_space<hbm>> -> memref<96xi32, #tpu.memory_space<hbm>>
      tpu.wait_dma2 semaphore(%run_scoped3A : memref<!tpu.dma_semaphore, #tpu.memory_space<semaphore_mem>>) src(%dma_wait3A_34 : memref<96xi32, #tpu.memory_space<hbm>>) dst(%arg6 : memref<96xi32, #tpu.memory_space<vmem>>)
      tpu.yield
    }) : () -> ()
    %add3A_7 = arith.constant 192 : i32
    %add3A_8 = arith.addi %mul3A_2, %add3A_7 : i32
    "tpu.region"() ({
      %run_scoped3A = tpu.sem_alloc : memref<!tpu.dma_semaphore, #tpu.memory_space<semaphore_mem>>
      %dma_start3A_31 = tpu.memref_slice %arg3[%add3A_8] : memref<9216xi32, #tpu.memory_space<hbm>> -> memref<96xi32, #tpu.memory_space<hbm>>
      %dma_start3A_32 = tpu.memref_slice %arg3[%add3A_8] : memref<9216xi32, #tpu.memory_space<hbm>> -> memref<96xi32, #tpu.memory_space<hbm>>
      tpu.enqueue_dma source(%dma_start3A_32 : memref<96xi32, #tpu.memory_space<hbm>>) target(%arg7 : memref<96xi32, #tpu.memory_space<vmem>>) target_semaphore(%run_scoped3A : memref<!tpu.dma_semaphore, #tpu.memory_space<semaphore_mem>>)
      %dma_wait3A_33 = tpu.memref_slice %arg3[%add3A_8] : memref<9216xi32, #tpu.memory_space<hbm>> -> memref<96xi32, #tpu.memory_space<hbm>>
      %dma_wait3A_34 = tpu.memref_slice %arg3[%add3A_8] : memref<9216xi32, #tpu.memory_space<hbm>> -> memref<96xi32, #tpu.memory_space<hbm>>
      tpu.wait_dma2 semaphore(%run_scoped3A : memref<!tpu.dma_semaphore, #tpu.memory_space<semaphore_mem>>) src(%dma_wait3A_34 : memref<96xi32, #tpu.memory_space<hbm>>) dst(%arg7 : memref<96xi32, #tpu.memory_space<vmem>>)
      tpu.yield
    }) : () -> ()
    %dma_start3A = arith.constant 0 : i32
    %dma_start3A_9 = arith.constant 0 : i32
    %dma_start3A_10 = tpu.memref_slice %arg2[%dma_start3A, %dma_start3A_9] : memref<8192x64xf32, #tpu.memory_space<hbm>> -> memref<8192x64xf32, #tpu.memory_space<hbm>>
    tpu.enqueue_indirect_dma source(%dma_start3A_10 : memref<8192x64xf32, #tpu.memory_space<hbm>>) target(%arg8 : memref<96x64xf32, #tpu.memory_space<vmem>>) offsets(%arg5 : memref<96xi32, #tpu.memory_space<vmem>>) semaphore(%arg11 : memref<!tpu.dma_semaphore, #tpu.memory_space<semaphore_mem>>)
    %dma_start3A_11 = arith.constant 0 : i32
    %dma_start3A_12 = arith.constant 0 : i32
    %dma_start3A_13 = tpu.memref_slice %arg2[%dma_start3A_11, %dma_start3A_12] : memref<8192x64xf32, #tpu.memory_space<hbm>> -> memref<8192x64xf32, #tpu.memory_space<hbm>>
    tpu.enqueue_indirect_dma source(%dma_start3A_13 : memref<8192x64xf32, #tpu.memory_space<hbm>>) target(%arg9 : memref<96x64xf32, #tpu.memory_space<vmem>>) offsets(%arg6 : memref<96xi32, #tpu.memory_space<vmem>>) semaphore(%arg11 : memref<!tpu.dma_semaphore, #tpu.memory_space<semaphore_mem>>)
    %dma_start3A_14 = arith.constant 0 : i32
    %dma_start3A_15 = arith.constant 0 : i32
    %dma_start3A_16 = tpu.memref_slice %arg2[%dma_start3A_14, %dma_start3A_15] : memref<8192x64xf32, #tpu.memory_space<hbm>> -> memref<8192x64xf32, #tpu.memory_space<hbm>>
    tpu.enqueue_indirect_dma source(%dma_start3A_16 : memref<8192x64xf32, #tpu.memory_space<hbm>>) target(%arg10 : memref<96x64xf32, #tpu.memory_space<vmem>>) offsets(%arg7 : memref<96xi32, #tpu.memory_space<vmem>>) semaphore(%arg11 : memref<!tpu.dma_semaphore, #tpu.memory_space<semaphore_mem>>)
    %dma_wait3A = arith.constant 0 : i32
    %dma_wait3A_17 = arith.constant 0 : i32
    %dma_wait3A_18 = tpu.memref_slice %arg2[%dma_wait3A, %dma_wait3A_17] : memref<8192x64xf32, #tpu.memory_space<hbm>> -> memref<8192x64xf32, #tpu.memory_space<hbm>>
    tpu.wait_indirect_dma semaphore(%arg11 : memref<!tpu.dma_semaphore, #tpu.memory_space<semaphore_mem>>) src(%dma_wait3A_18 : memref<8192x64xf32, #tpu.memory_space<hbm>>) dst(%arg8 : memref<96x64xf32, #tpu.memory_space<vmem>>)
    %dma_wait3A_19 = arith.constant 0 : i32
    %dma_wait3A_20 = arith.constant 0 : i32
    %dma_wait3A_21 = tpu.memref_slice %arg2[%dma_wait3A_19, %dma_wait3A_20] : memref<8192x64xf32, #tpu.memory_space<hbm>> -> memref<8192x64xf32, #tpu.memory_space<hbm>>
    tpu.wait_indirect_dma semaphore(%arg11 : memref<!tpu.dma_semaphore, #tpu.memory_space<semaphore_mem>>) src(%dma_wait3A_21 : memref<8192x64xf32, #tpu.memory_space<hbm>>) dst(%arg9 : memref<96x64xf32, #tpu.memory_space<vmem>>)
    %dma_wait3A_22 = arith.constant 0 : i32
    %dma_wait3A_23 = arith.constant 0 : i32
    %dma_wait3A_24 = tpu.memref_slice %arg2[%dma_wait3A_22, %dma_wait3A_23] : memref<8192x64xf32, #tpu.memory_space<hbm>> -> memref<8192x64xf32, #tpu.memory_space<hbm>>
    tpu.wait_indirect_dma semaphore(%arg11 : memref<!tpu.dma_semaphore, #tpu.memory_space<semaphore_mem>>) src(%dma_wait3A_24 : memref<8192x64xf32, #tpu.memory_space<hbm>>) dst(%arg10 : memref<96x64xf32, #tpu.memory_space<vmem>>)
    %add3A_25 = arith.constant 0 : i32
    %add3A_26 = arith.addi %mul3A_2, %add3A_25 : i32
    "tpu.region"() ({
      %run_scoped3A = tpu.sem_alloc : memref<!tpu.dma_semaphore, #tpu.memory_space<semaphore_mem>>
      %dma_start3A_31 = arith.constant 0 : i32
      %dma_start3A_32 = tpu.memref_slice %arg4[%add3A_26, %dma_start3A_31] : memref<9216x64xf32, #tpu.memory_space<hbm>> -> memref<96x64xf32, #tpu.memory_space<hbm>>
      %dma_start3A_33 = arith.constant 0 : i32
      %dma_start3A_34 = tpu.memref_slice %arg4[%add3A_26, %dma_start3A_33] : memref<9216x64xf32, #tpu.memory_space<hbm>> -> memref<96x64xf32, #tpu.memory_space<hbm>>
      tpu.enqueue_dma source(%arg8 : memref<96x64xf32, #tpu.memory_space<vmem>>) target(%dma_start3A_34 : memref<96x64xf32, #tpu.memory_space<hbm>>) target_semaphore(%run_scoped3A : memref<!tpu.dma_semaphore, #tpu.memory_space<semaphore_mem>>)
      %dma_wait3A_35 = arith.constant 0 : i32
      %dma_wait3A_36 = tpu.memref_slice %arg4[%add3A_26, %dma_wait3A_35] : memref<9216x64xf32, #tpu.memory_space<hbm>> -> memref<96x64xf32, #tpu.memory_space<hbm>>
      %dma_wait3A_37 = arith.constant 0 : i32
      %dma_wait3A_38 = tpu.memref_slice %arg4[%add3A_26, %dma_wait3A_37] : memref<9216x64xf32, #tpu.memory_space<hbm>> -> memref<96x64xf32, #tpu.memory_space<hbm>>
      tpu.wait_dma2 semaphore(%run_scoped3A : memref<!tpu.dma_semaphore, #tpu.memory_space<semaphore_mem>>) src(%arg8 : memref<96x64xf32, #tpu.memory_space<vmem>>) dst(%dma_wait3A_38 : memref<96x64xf32, #tpu.memory_space<hbm>>)
      tpu.yield
    }) : () -> ()
    %add3A_27 = arith.constant 96 : i32
    %add3A_28 = arith.addi %mul3A_2, %add3A_27 : i32
    "tpu.region"() ({
      %run_scoped3A = tpu.sem_alloc : memref<!tpu.dma_semaphore, #tpu.memory_space<semaphore_mem>>
      %dma_start3A_31 = arith.constant 0 : i32
      %dma_start3A_32 = tpu.memref_slice %arg4[%add3A_28, %dma_start3A_31] : memref<9216x64xf32, #tpu.memory_space<hbm>> -> memref<96x64xf32, #tpu.memory_space<hbm>>
      %dma_start3A_33 = arith.constant 0 : i32
      %dma_start3A_34 = tpu.memref_slice %arg4[%add3A_28, %dma_start3A_33] : memref<9216x64xf32, #tpu.memory_space<hbm>> -> memref<96x64xf32, #tpu.memory_space<hbm>>
      tpu.enqueue_dma source(%arg9 : memref<96x64xf32, #tpu.memory_space<vmem>>) target(%dma_start3A_34 : memref<96x64xf32, #tpu.memory_space<hbm>>) target_semaphore(%run_scoped3A : memref<!tpu.dma_semaphore, #tpu.memory_space<semaphore_mem>>)
      %dma_wait3A_35 = arith.constant 0 : i32
      %dma_wait3A_36 = tpu.memref_slice %arg4[%add3A_28, %dma_wait3A_35] : memref<9216x64xf32, #tpu.memory_space<hbm>> -> memref<96x64xf32, #tpu.memory_space<hbm>>
      %dma_wait3A_37 = arith.constant 0 : i32
      %dma_wait3A_38 = tpu.memref_slice %arg4[%add3A_28, %dma_wait3A_37] : memref<9216x64xf32, #tpu.memory_space<hbm>> -> memref<96x64xf32, #tpu.memory_space<hbm>>
      tpu.wait_dma2 semaphore(%run_scoped3A : memref<!tpu.dma_semaphore, #tpu.memory_space<semaphore_mem>>) src(%arg9 : memref<96x64xf32, #tpu.memory_space<vmem>>) dst(%dma_wait3A_38 : memref<96x64xf32, #tpu.memory_space<hbm>>)
      tpu.yield
    }) : () -> ()
    %add3A_29 = arith.constant 192 : i32
    %add3A_30 = arith.addi %mul3A_2, %add3A_29 : i32
    "tpu.region"() ({
      %run_scoped3A = tpu.sem_alloc : memref<!tpu.dma_semaphore, #tpu.memory_space<semaphore_mem>>
      %dma_start3A_31 = arith.constant 0 : i32
      %dma_start3A_32 = tpu.memref_slice %arg4[%add3A_30, %dma_start3A_31] : memref<9216x64xf32, #tpu.memory_space<hbm>> -> memref<96x64xf32, #tpu.memory_space<hbm>>
      %dma_start3A_33 = arith.constant 0 : i32
      %dma_start3A_34 = tpu.memref_slice %arg4[%add3A_30, %dma_start3A_33] : memref<9216x64xf32, #tpu.memory_space<hbm>> -> memref<96x64xf32, #tpu.memory_space<hbm>>
      tpu.enqueue_dma source(%arg10 : memref<96x64xf32, #tpu.memory_space<vmem>>) target(%dma_start3A_34 : memref<96x64xf32, #tpu.memory_space<hbm>>) target_semaphore(%run_scoped3A : memref<!tpu.dma_semaphore, #tpu.memory_space<semaphore_mem>>)
      %dma_wait3A_35 = arith.constant 0 : i32
      %dma_wait3A_36 = tpu.memref_slice %arg4[%add3A_30, %dma_wait3A_35] : memref<9216x64xf32, #tpu.memory_space<hbm>> -> memref<96x64xf32, #tpu.memory_space<hbm>>
      %dma_wait3A_37 = arith.constant 0 : i32
      %dma_wait3A_38 = tpu.memref_slice %arg4[%add3A_30, %dma_wait3A_37] : memref<9216x64xf32, #tpu.memory_space<hbm>> -> memref<96x64xf32, #tpu.memory_space<hbm>>
      tpu.wait_dma2 semaphore(%run_scoped3A : memref<!tpu.dma_semaphore, #tpu.memory_space<semaphore_mem>>) src(%arg10 : memref<96x64xf32, #tpu.memory_space<vmem>>) dst(%dma_wait3A_38 : memref<96x64xf32, #tpu.memory_space<hbm>>)
      tpu.yield
    }) : () -> ()
    return
  }
}

module attributes {stable_mosaic.version = 14 : i64} {
  func.func @_distance_argmin_body(%arg0: i32, %arg1: memref<512x64xf32, #tpu.memory_space<vmem>>, %arg2: memref<8192x64xf32, #tpu.memory_space<vmem>>, %arg3: memref<512xf32, #tpu.memory_space<vmem>>, %arg4: memref<8192xf32, #tpu.memory_space<vmem>>, %arg5: memref<1x1x512xi32, #tpu.memory_space<vmem>>, %arg6: memref<1x1xf32, #tpu.memory_space<smem>>) attributes {dimension_semantics = [#tpu.dimension_semantics<arbitrary>], iteration_bounds = array<i64: 18>, scalar_prefetch = 0 : i64, scratch_operands = 0 : i64, tpu.core_type = #tpu.core_type<tc>, window_params = [{transform_indices = @transform_0, window_bounds = array<i64: 512, 64>}, {pipeline_mode = #tpu.pipeline_mode<synchronous>, transform_indices = @transform_1, window_bounds = array<i64: 8192, 64>}, {transform_indices = @transform_2, window_bounds = array<i64: 512>}, {pipeline_mode = #tpu.pipeline_mode<synchronous>, transform_indices = @transform_3, window_bounds = array<i64: 8192>}, {transform_indices = @transform_4, window_bounds = array<i64: 1, 1, 512>}, {transform_indices = @transform_5, window_bounds = array<i64: 1, 1>}]} {
    %get3A = arith.constant 0 : index
    %get3A_0 = arith.constant 0 : index
    %get3A_1 = vector.load %arg1[%get3A, %get3A_0] : memref<512x64xf32, #tpu.memory_space<vmem>>, vector<512x64xf32>
    %get3A_2 = arith.constant 0 : index
    %get3A_3 = vector.load %arg3[%get3A_2] : memref<512xf32, #tpu.memory_space<vmem>>, vector<512xf32>
    %reshape3A = vector.shape_cast %get3A_3 : vector<512xf32> to vector<512x1xf32>
    %convert_element_type3A = arith.truncf %get3A_1 : vector<512x64xf32> to vector<512x64xbf16>
    %iota3A = tpu.iota {dimensions = array<i32: 1>} : vector<512x2048xi32>
    %get3A_4 = arith.constant 0 : index
    %get3A_5 = arith.constant 0 : index
    %get3A_6 = vector.load %arg2[%get3A_4, %get3A_5] : memref<8192x64xf32, #tpu.memory_space<vmem>>, vector<2048x64xf32>
    %get3A_7 = arith.constant 0 : index
    %get3A_8 = vector.load %arg4[%get3A_7] : memref<8192xf32, #tpu.memory_space<vmem>>, vector<2048xf32>
    %mul3A = arith.constant 2.000000e+00 : f32
    %mul3A_9 = vector.broadcast %mul3A : f32 to vector<2048x64xf32>
    %mul3A_10 = arith.mulf %get3A_6, %mul3A_9 : vector<2048x64xf32>
    %convert_element_type3A_11 = arith.truncf %mul3A_10 : vector<2048x64xf32> to vector<2048x64xbf16>
    %dot_general3A = arith.constant dense<0.000000e+00> : vector<512x2048xf32>
    %dot_general3A_12 = tpu.matmul %convert_element_type3A, %convert_element_type3A_11, %dot_general3A {dimension_numbers = #tpu.dot_dimension_numbers<[1], [1], [0], [0], [0, 0, 1, 0], [], []>, transpose_lhs_hint = false} : vector<512x64xbf16>, vector<2048x64xbf16>, vector<512x2048xf32> -> vector<512x2048xf32>
    %broadcast_in_dim3A = vector.shape_cast %get3A_8 : vector<2048xf32> to vector<1x2048xf32>
    %add3A = vector.broadcast %reshape3A : vector<512x1xf32> to vector<512x2048xf32>
    %add3A_13 = vector.broadcast %broadcast_in_dim3A : vector<1x2048xf32> to vector<512x2048xf32>
    %add3A_14 = arith.addf %add3A, %add3A_13 : vector<512x2048xf32>
    %sub3A = arith.subf %add3A_14, %dot_general3A_12 : vector<512x2048xf32>
    %reduce_min3A = arith.constant dense<0x7F800000> : vector<512xf32>
    %reduce_min3A_15 = vector.multi_reduction <minimumf>, %sub3A, %reduce_min3A [1] : vector<512x2048xf32> to vector<512xf32>
    %broadcast_in_dim3A_16 = vector.shape_cast %reduce_min3A_15 : vector<512xf32> to vector<512x1xf32>
    %eq3A = vector.broadcast %broadcast_in_dim3A_16 : vector<512x1xf32> to vector<512x2048xf32>
    %eq3A_17 = arith.cmpf oeq, %sub3A, %eq3A : vector<512x2048xf32>
    %add3A_18 = arith.constant 0 : i32
    %add3A_19 = vector.broadcast %add3A_18 : i32 to vector<512x2048xi32>
    %add3A_20 = arith.addi %iota3A, %add3A_19 : vector<512x2048xi32>
    %jit3A = arith.constant 8192 : i32
    %broadcast_in_dim3A_21 = vector.broadcast %jit3A : i32 to vector<512x2048xi32>
    %select_n3A = arith.select %eq3A_17, %add3A_20, %broadcast_in_dim3A_21 : vector<512x2048xi1>, vector<512x2048xi32>
    %reduce_min3A_22 = arith.constant dense<2147483647> : vector<512xi32>
    %reduce_min3A_23 = vector.multi_reduction <minsi>, %select_n3A, %reduce_min3A_22 [1] : vector<512x2048xi32> to vector<512xi32>
    %convert_element_type3A_24 = arith.truncf %broadcast_in_dim3A_16 : vector<512x1xf32> to vector<512x1xbf16>
    %convert_element_type3A_25 = arith.extf %convert_element_type3A_24 : vector<512x1xbf16> to vector<512x1xf32>
    %get3A_26 = arith.constant 2048 : index
    %get3A_27 = arith.constant 0 : index
    %get3A_28 = vector.load %arg2[%get3A_26, %get3A_27] : memref<8192x64xf32, #tpu.memory_space<vmem>>, vector<2048x64xf32>
    %get3A_29 = arith.constant 2048 : index
    %get3A_30 = vector.load %arg4[%get3A_29] : memref<8192xf32, #tpu.memory_space<vmem>>, vector<2048xf32>
    %mul3A_31 = arith.constant 2.000000e+00 : f32
    %mul3A_32 = vector.broadcast %mul3A_31 : f32 to vector<2048x64xf32>
    %mul3A_33 = arith.mulf %get3A_28, %mul3A_32 : vector<2048x64xf32>
    %convert_element_type3A_34 = arith.truncf %mul3A_33 : vector<2048x64xf32> to vector<2048x64xbf16>
    %dot_general3A_35 = arith.constant dense<0.000000e+00> : vector<512x2048xf32>
    %dot_general3A_36 = tpu.matmul %convert_element_type3A, %convert_element_type3A_34, %dot_general3A_35 {dimension_numbers = #tpu.dot_dimension_numbers<[1], [1], [0], [0], [0, 0, 1, 0], [], []>, transpose_lhs_hint = false} : vector<512x64xbf16>, vector<2048x64xbf16>, vector<512x2048xf32> -> vector<512x2048xf32>
    %broadcast_in_dim3A_37 = vector.shape_cast %get3A_30 : vector<2048xf32> to vector<1x2048xf32>
    %add3A_38 = vector.broadcast %reshape3A : vector<512x1xf32> to vector<512x2048xf32>
    %add3A_39 = vector.broadcast %broadcast_in_dim3A_37 : vector<1x2048xf32> to vector<512x2048xf32>
    %add3A_40 = arith.addf %add3A_38, %add3A_39 : vector<512x2048xf32>
    %sub3A_41 = arith.subf %add3A_40, %dot_general3A_36 : vector<512x2048xf32>
    %reduce_min3A_42 = arith.constant dense<0x7F800000> : vector<512xf32>
    %reduce_min3A_43 = vector.multi_reduction <minimumf>, %sub3A_41, %reduce_min3A_42 [1] : vector<512x2048xf32> to vector<512xf32>
    %broadcast_in_dim3A_44 = vector.shape_cast %reduce_min3A_43 : vector<512xf32> to vector<512x1xf32>
    %eq3A_45 = vector.broadcast %broadcast_in_dim3A_44 : vector<512x1xf32> to vector<512x2048xf32>
    %eq3A_46 = arith.cmpf oeq, %sub3A_41, %eq3A_45 : vector<512x2048xf32>
    %add3A_47 = arith.constant 2048 : i32
    %add3A_48 = vector.broadcast %add3A_47 : i32 to vector<512x2048xi32>
    %add3A_49 = arith.addi %iota3A, %add3A_48 : vector<512x2048xi32>
    %jit3A_50 = arith.constant 8192 : i32
    %broadcast_in_dim3A_51 = vector.broadcast %jit3A_50 : i32 to vector<512x2048xi32>
    %select_n3A_52 = arith.select %eq3A_46, %add3A_49, %broadcast_in_dim3A_51 : vector<512x2048xi1>, vector<512x2048xi32>
    %reduce_min3A_53 = arith.constant dense<2147483647> : vector<512xi32>
    %reduce_min3A_54 = vector.multi_reduction <minsi>, %select_n3A_52, %reduce_min3A_53 [1] : vector<512x2048xi32> to vector<512xi32>
    %convert_element_type3A_55 = arith.truncf %broadcast_in_dim3A_44 : vector<512x1xf32> to vector<512x1xbf16>
    %convert_element_type3A_56 = arith.extf %convert_element_type3A_55 : vector<512x1xbf16> to vector<512x1xf32>
    %lt3A = arith.cmpf olt, %broadcast_in_dim3A_44, %convert_element_type3A_25 : vector<512x1xf32>
    %squeeze3A = vector.shape_cast %lt3A : vector<512x1xi1> to vector<512xi1>
    %select_n3A_57 = arith.select %squeeze3A, %reduce_min3A_54, %reduce_min3A_23 : vector<512xi1>, vector<512xi32>
    %select_n3A_58 = arith.select %lt3A, %convert_element_type3A_56, %convert_element_type3A_25 : vector<512x1xi1>, vector<512x1xf32>
    %select_n3A_59 = arith.select %lt3A, %broadcast_in_dim3A_44, %broadcast_in_dim3A_16 : vector<512x1xi1>, vector<512x1xf32>
    %get3A_60 = arith.constant 4096 : index
    %get3A_61 = arith.constant 0 : index
    %get3A_62 = vector.load %arg2[%get3A_60, %get3A_61] : memref<8192x64xf32, #tpu.memory_space<vmem>>, vector<2048x64xf32>
    %get3A_63 = arith.constant 4096 : index
    %get3A_64 = vector.load %arg4[%get3A_63] : memref<8192xf32, #tpu.memory_space<vmem>>, vector<2048xf32>
    %mul3A_65 = arith.constant 2.000000e+00 : f32
    %mul3A_66 = vector.broadcast %mul3A_65 : f32 to vector<2048x64xf32>
    %mul3A_67 = arith.mulf %get3A_62, %mul3A_66 : vector<2048x64xf32>
    %convert_element_type3A_68 = arith.truncf %mul3A_67 : vector<2048x64xf32> to vector<2048x64xbf16>
    %dot_general3A_69 = arith.constant dense<0.000000e+00> : vector<512x2048xf32>
    %dot_general3A_70 = tpu.matmul %convert_element_type3A, %convert_element_type3A_68, %dot_general3A_69 {dimension_numbers = #tpu.dot_dimension_numbers<[1], [1], [0], [0], [0, 0, 1, 0], [], []>, transpose_lhs_hint = false} : vector<512x64xbf16>, vector<2048x64xbf16>, vector<512x2048xf32> -> vector<512x2048xf32>
    %broadcast_in_dim3A_71 = vector.shape_cast %get3A_64 : vector<2048xf32> to vector<1x2048xf32>
    %add3A_72 = vector.broadcast %reshape3A : vector<512x1xf32> to vector<512x2048xf32>
    %add3A_73 = vector.broadcast %broadcast_in_dim3A_71 : vector<1x2048xf32> to vector<512x2048xf32>
    %add3A_74 = arith.addf %add3A_72, %add3A_73 : vector<512x2048xf32>
    %sub3A_75 = arith.subf %add3A_74, %dot_general3A_70 : vector<512x2048xf32>
    %reduce_min3A_76 = arith.constant dense<0x7F800000> : vector<512xf32>
    %reduce_min3A_77 = vector.multi_reduction <minimumf>, %sub3A_75, %reduce_min3A_76 [1] : vector<512x2048xf32> to vector<512xf32>
    %broadcast_in_dim3A_78 = vector.shape_cast %reduce_min3A_77 : vector<512xf32> to vector<512x1xf32>
    %eq3A_79 = vector.broadcast %broadcast_in_dim3A_78 : vector<512x1xf32> to vector<512x2048xf32>
    %eq3A_80 = arith.cmpf oeq, %sub3A_75, %eq3A_79 : vector<512x2048xf32>
    %add3A_81 = arith.constant 4096 : i32
    %add3A_82 = vector.broadcast %add3A_81 : i32 to vector<512x2048xi32>
    %add3A_83 = arith.addi %iota3A, %add3A_82 : vector<512x2048xi32>
    %jit3A_84 = arith.constant 8192 : i32
    %broadcast_in_dim3A_85 = vector.broadcast %jit3A_84 : i32 to vector<512x2048xi32>
    %select_n3A_86 = arith.select %eq3A_80, %add3A_83, %broadcast_in_dim3A_85 : vector<512x2048xi1>, vector<512x2048xi32>
    %reduce_min3A_87 = arith.constant dense<2147483647> : vector<512xi32>
    %reduce_min3A_88 = vector.multi_reduction <minsi>, %select_n3A_86, %reduce_min3A_87 [1] : vector<512x2048xi32> to vector<512xi32>
    %convert_element_type3A_89 = arith.truncf %broadcast_in_dim3A_78 : vector<512x1xf32> to vector<512x1xbf16>
    %convert_element_type3A_90 = arith.extf %convert_element_type3A_89 : vector<512x1xbf16> to vector<512x1xf32>
    %lt3A_91 = arith.cmpf olt, %broadcast_in_dim3A_78, %select_n3A_58 : vector<512x1xf32>
    %squeeze3A_92 = vector.shape_cast %lt3A_91 : vector<512x1xi1> to vector<512xi1>
    %select_n3A_93 = arith.select %squeeze3A_92, %reduce_min3A_88, %select_n3A_57 : vector<512xi1>, vector<512xi32>
    %select_n3A_94 = arith.select %lt3A_91, %convert_element_type3A_90, %select_n3A_58 : vector<512x1xi1>, vector<512x1xf32>
    %select_n3A_95 = arith.select %lt3A_91, %broadcast_in_dim3A_78, %select_n3A_59 : vector<512x1xi1>, vector<512x1xf32>
    %get3A_96 = arith.constant 6144 : index
    %get3A_97 = arith.constant 0 : index
    %get3A_98 = vector.load %arg2[%get3A_96, %get3A_97] : memref<8192x64xf32, #tpu.memory_space<vmem>>, vector<2048x64xf32>
    %get3A_99 = arith.constant 6144 : index
    %get3A_100 = vector.load %arg4[%get3A_99] : memref<8192xf32, #tpu.memory_space<vmem>>, vector<2048xf32>
    %mul3A_101 = arith.constant 2.000000e+00 : f32
    %mul3A_102 = vector.broadcast %mul3A_101 : f32 to vector<2048x64xf32>
    %mul3A_103 = arith.mulf %get3A_98, %mul3A_102 : vector<2048x64xf32>
    %convert_element_type3A_104 = arith.truncf %mul3A_103 : vector<2048x64xf32> to vector<2048x64xbf16>
    %dot_general3A_105 = arith.constant dense<0.000000e+00> : vector<512x2048xf32>
    %dot_general3A_106 = tpu.matmul %convert_element_type3A, %convert_element_type3A_104, %dot_general3A_105 {dimension_numbers = #tpu.dot_dimension_numbers<[1], [1], [0], [0], [0, 0, 1, 0], [], []>, transpose_lhs_hint = false} : vector<512x64xbf16>, vector<2048x64xbf16>, vector<512x2048xf32> -> vector<512x2048xf32>
    %broadcast_in_dim3A_107 = vector.shape_cast %get3A_100 : vector<2048xf32> to vector<1x2048xf32>
    %add3A_108 = vector.broadcast %reshape3A : vector<512x1xf32> to vector<512x2048xf32>
    %add3A_109 = vector.broadcast %broadcast_in_dim3A_107 : vector<1x2048xf32> to vector<512x2048xf32>
    %add3A_110 = arith.addf %add3A_108, %add3A_109 : vector<512x2048xf32>
    %sub3A_111 = arith.subf %add3A_110, %dot_general3A_106 : vector<512x2048xf32>
    %reduce_min3A_112 = arith.constant dense<0x7F800000> : vector<512xf32>
    %reduce_min3A_113 = vector.multi_reduction <minimumf>, %sub3A_111, %reduce_min3A_112 [1] : vector<512x2048xf32> to vector<512xf32>
    %broadcast_in_dim3A_114 = vector.shape_cast %reduce_min3A_113 : vector<512xf32> to vector<512x1xf32>
    %eq3A_115 = vector.broadcast %broadcast_in_dim3A_114 : vector<512x1xf32> to vector<512x2048xf32>
    %eq3A_116 = arith.cmpf oeq, %sub3A_111, %eq3A_115 : vector<512x2048xf32>
    %add3A_117 = arith.constant 6144 : i32
    %add3A_118 = vector.broadcast %add3A_117 : i32 to vector<512x2048xi32>
    %add3A_119 = arith.addi %iota3A, %add3A_118 : vector<512x2048xi32>
    %jit3A_120 = arith.constant 8192 : i32
    %broadcast_in_dim3A_121 = vector.broadcast %jit3A_120 : i32 to vector<512x2048xi32>
    %select_n3A_122 = arith.select %eq3A_116, %add3A_119, %broadcast_in_dim3A_121 : vector<512x2048xi1>, vector<512x2048xi32>
    %reduce_min3A_123 = arith.constant dense<2147483647> : vector<512xi32>
    %reduce_min3A_124 = vector.multi_reduction <minsi>, %select_n3A_122, %reduce_min3A_123 [1] : vector<512x2048xi32> to vector<512xi32>
    %lt3A_125 = arith.cmpf olt, %broadcast_in_dim3A_114, %select_n3A_94 : vector<512x1xf32>
    %squeeze3A_126 = vector.shape_cast %lt3A_125 : vector<512x1xi1> to vector<512xi1>
    %select_n3A_127 = arith.select %squeeze3A_126, %reduce_min3A_124, %select_n3A_93 : vector<512xi1>, vector<512xi32>
    %select_n3A_128 = arith.select %lt3A_125, %broadcast_in_dim3A_114, %select_n3A_95 : vector<512x1xi1>, vector<512x1xf32>
    %reshape3A_129 = vector.shape_cast %select_n3A_127 : vector<512xi32> to vector<1x1x512xi32>
    %swap3A = arith.constant 0 : index
    %swap3A_130 = arith.constant 0 : index
    %swap3A_131 = arith.constant 0 : index
    %swap3A_132 = vector.load %arg5[%swap3A, %swap3A_130, %swap3A_131] : memref<1x1x512xi32, #tpu.memory_space<vmem>>, vector<1x1x512xi32>
    tpu.vector_store %arg5[%swap3A, %swap3A_130, %swap3A_131], %reshape3A_129 {strides = array<i32>} : memref<1x1x512xi32, #tpu.memory_space<vmem>>, vector<1x1x512xi32>,
    %eq3A_133 = arith.constant 0 : i32
    %eq3A_134 = arith.cmpi eq, %arg0, %eq3A_133 : i32
    %convert_element_type3A_135 = arith.extui %eq3A_134 : i1 to i32
    %cond3A = arith.constant 0 : i32
    %cond3A_136 = arith.cmpi ne, %convert_element_type3A_135, %cond3A : i32
    scf.if %cond3A_136 {
      %swap3A_153 = arith.constant 0.000000e+00 : f32
      %swap3A_154 = arith.constant 0 : index
      %swap3A_155 = arith.constant 0 : index
      %swap3A_156 = memref.load %arg6[%swap3A_154, %swap3A_155] : memref<1x1xf32, #tpu.memory_space<smem>>
      memref.store %swap3A_153, %arg6[%swap3A_154, %swap3A_155] : memref<1x1xf32, #tpu.memory_space<smem>>
    } else {
    }
    %get3A_137 = arith.constant 0 : index
    %get3A_138 = arith.constant 0 : index
    %get3A_139 = memref.load %arg6[%get3A_137, %get3A_138] : memref<1x1xf32, #tpu.memory_space<smem>>
    %reduce_sum3A = vector.shape_cast %select_n3A_128 : vector<512x1xf32> to vector<1x512x1xf32>
    %reduce_sum3A_140 = arith.constant dense<0.000000e+00> : vector<1xf32>
    %reduce_sum3A_141 = vector.multi_reduction <add>, %reduce_sum3A, %reduce_sum3A_140 [1, 2] : vector<1x512x1xf32> to vector<1xf32>
    %reduce_sum3A_142 = vector.shape_cast %reduce_sum3A_141 : vector<1xf32> to vector<1x1x1xf32>
    %reduce_sum3A_143 = vector.extract %reduce_sum3A_142[0, 0, 0] : f32 from vector<1x1x1xf32>
    %add3A_144 = arith.addf %get3A_139, %reduce_sum3A_143 : f32
    %swap3A_145 = arith.constant 0 : index
    %swap3A_146 = arith.constant 0 : index
    %swap3A_147 = memref.load %arg6[%swap3A_145, %swap3A_146] : memref<1x1xf32, #tpu.memory_space<smem>>
    memref.store %add3A_144, %arg6[%swap3A_145, %swap3A_146] : memref<1x1xf32, #tpu.memory_space<smem>>
    %eq3A_148 = arith.constant 17 : i32
    %eq3A_149 = arith.cmpi eq, %arg0, %eq3A_148 : i32
    %convert_element_type3A_150 = arith.extui %eq3A_149 : i1 to i32
    %cond3A_151 = arith.constant 0 : i32
    %cond3A_152 = arith.cmpi ne, %convert_element_type3A_150, %cond3A_151 : i32
    scf.if %cond3A_152 {
      %get3A_153 = arith.constant 0 : index
      %get3A_154 = arith.constant 0 : index
      %get3A_155 = memref.load %arg6[%get3A_153, %get3A_154] : memref<1x1xf32, #tpu.memory_space<smem>>
      %mul3A_156 = arith.constant 2.11927636E-6 : f32
      %mul3A_157 = arith.mulf %get3A_155, %mul3A_156 : f32
      %swap3A_158 = arith.constant 0 : index
      %swap3A_159 = arith.constant 0 : index
      %swap3A_160 = memref.load %arg6[%swap3A_158, %swap3A_159] : memref<1x1xf32, #tpu.memory_space<smem>>
      memref.store %mul3A_157, %arg6[%swap3A_158, %swap3A_159] : memref<1x1xf32, #tpu.memory_space<smem>>
    } else {
    }
    return
  }
  func.func @transform_0(%arg0: i32) -> (i32, i32) {
    %c0_i32 = arith.constant 0 : i32
    %c0_i32_0 = arith.constant 0 : i32
    return %arg0, %c0_i32 : i32, i32
  }
  func.func @transform_1(%arg0: i32) -> (i32, i32) {
    %c0_i32 = arith.constant 0 : i32
    %c0_i32_0 = arith.constant 0 : i32
    %c0_i32_1 = arith.constant 0 : i32
    return %c0_i32, %c0_i32_0 : i32, i32
  }
  func.func @transform_2(%arg0: i32) -> i32 {
    %c0_i32 = arith.constant 0 : i32
    return %arg0 : i32
  }
  func.func @transform_3(%arg0: i32) -> i32 {
    %c0_i32 = arith.constant 0 : i32
    %c0_i32_0 = arith.constant 0 : i32
    return %c0_i32 : i32
  }
  func.func @transform_4(%arg0: i32) -> (i32, i32, i32) {
    %c0_i32 = arith.constant 0 : i32
    %c0_i32_0 = arith.constant 0 : i32
    %c0_i32_1 = arith.constant 0 : i32
    return %arg0, %c0_i32, %c0_i32_0 : i32, i32, i32
  }
  func.func @transform_5(%arg0: i32) -> (i32, i32) {
    %c0_i32 = arith.constant 0 : i32
    %c0_i32_0 = arith.constant 0 : i32
    %c0_i32_1 = arith.constant 0 : i32
    return %c0_i32, %c0_i32_0 : i32, i32
  }
}

</mosaic_0001>

<sc_bundles>
// kernel: kernel.4.cloned.1.call-start
scs
__scs_entry_jumppad:
0x0: {  	(pc) =	sbr.rel $0x88, $3  }
0x1: {  	(tag) =	ssettag $0x0;
	lr =	simm.s32 $0x1  }
0x2: {  	[smem:$0x3F9F] =	sst lr;
	_ =	strace $0xD0000000  }
0x3: {  	_ = 	snop  }
0x4: {  	_ = 	snop  }
0x5: {  	_ = 	snop  }
0x6: {  	_ = 	snop  }
0x7: {  	_ = 	snop  }
__scs_overlays_trampoline_lowered:
0x8: {  	[smem:$0x3FAE] =	sst s0  }
0x9: {  	[smem:$0x3FAF] =	sst s1  }
0xa: {  	[smem:$0x3FB0] =	sst s2  }
0xb: {  	[smem:$0x3FB1] =	sst s3  }
0xc: {  	[smem:$0x3FB2] =	sst s4  }
0xd: {  	[smem:$0x3FB3] =	sst s5  }
0xe: {  	[smem:$0x3FB4] =	sst s6  }
0xf: {  	[smem:$0x3FB5] =	sst s7  }
0x10: {  	[smem:$0x3FB6] =	sst s8  }
0x11: {  	[smem:$0x3FB7] =	sst s9;
	s0 =	simm.s32 @!p0 $0x0  }
0x12: {  	s1 =	sld [smem:$0x3F9D];
	s0 =	simm.s32 @p0 $0x1  }
0x13: {  	[smem:$0x3FB8] =	sst s0;
	s0 =	simm.s32 @!p1 $0x0  }
0x14: {  	s2 =	sld [smem:$0x3F9C];
	s0 =	simm.s32 @p1 $0x1  }
0x15: {  	[smem:$0x3FB9] =	sst s0;
	s0 =	simm.s32 @!p2 $0x0  }
0x16: {  	s3 =	sld [smem:$0x3FDB];
	s0 =	simm.s32 @p2 $0x1  }
0x17: {  	s4 =	simm.s32 $0x1BF5;
	[smem:$0x3FBB] =	sst s0  }
0x18: {  	s0 =	sld [smem:$0x3F9E];
	_ =	swait.ge [sflag:s4], $0x0  }
0x19: {  	s7 =	sld [smem:$0x3F9F]  }
0x1a: {  	s8 =	sadd.s32 $0xFFFFE003, lr  }
0x1b: {  	s9 =	sadd.s32 $0xFFFFFEF7, lr;
	s5 =	simm.s32 $0xFFFFFFFF;
	p2 =	slt.u32 s8, $0xFFFFF086  }
0x1c: {  	p1 =	slt.u32 s9, $0xF7A;
	s5 =	simm.s32 @!p2 $0x0  }
0x1d: {  	s5 =	simm.s32 @p1 $0x1;
	p0 =	seq.s32 s7, s2  }
0x1e: {  	s7 =	smul.u32 @!p0 $0xF7A, s2;
	p2 =	seq.s32 @!p0 s5, $0x0  }
0x1f: {  	s9 =	smul.u32 $0xF7A, s1;
	s8 =	simm.s32 @!p0 $0x1BF5;
	p2 =	por !p2, p0  }
0x20: {  	[sflag:s8] =	ssyncset.s32 @!p0 $0xFFFFF086;
	s6 =	sadd.s32 @!p0 s3, s7;
	s7 =	simm.s32 @!p0 $0x108  }
0x21: {  	s3 =	sadd.s32 s3, s9;
	s6 =	sadd.s32 @!p0 $0x88, s6;
	s7 =	simm.s32 @p2 $0x1082  }
0x22: {  	[simem:s7], [sflag:s8] =	dma.local @!p0 [hbm:s6], $0xF7A  }
0x23: {  	s9 =	sor.u32 $0xD0000000, s2;
	s6 =	simm.s32 $0x108;
	_ =	swait.ge @!p0 [sflag:s8], $0x0  }
0x24: {  	s3 =	sadd.s32 $0x88, s3;
	s6 =	simm.s32 @!p1 $0x1082;
	[sflag:s4] =	ssyncset.s32 $0xFFFFF086  }
0x25: {  	[simem:s6], [sflag:s4] =	dma.local [hbm:s3], $0xF7A  }
0x26: {  	[smem:$0x3F9F] =	sst s1;
	(tag) =	ssettag s2;
	_ =	strace s9  }
0x27: {  	s1 =	sld [smem:$0x3FAF]  }
0x28: {  	s2 =	sld [smem:$0x3FB0]  }
0x29: {  	s4 =	sld [smem:$0x3FB2]  }
0x2a: {  	p0 =	seq.s32 s5, $0x0;
	s5 =	sld [smem:$0x3FB3]  }
0x2b: {  	s6 =	sld [smem:$0x3FB4]  }
0x2c: {  	s7 =	sld [smem:$0x3FB5]  }
0x2d: {  	s3 =	simm.s32 $0x108;
	s8 =	sld [smem:$0x3FB6]  }
0x2e: {  	s3 =	simm.s32 @!p0 $0x1082;
	s9 =	sld [smem:$0x3FB7]  }
0x2f: {  	lr =	sadd.s32 s0, s3;
	s0 =	sld [smem:$0x3FAE]  }
0x30: {  	s3 =	sld [smem:$0x3FB1]  }
0x31: {  	[smem:$0x3FBA] =	sst s10  }
0x32: {  	s10 =	sld [smem:$0x3FB8];
	_ =	sdelay $0x3  }
0x33: {  	p0 =	seq.s32 s10, $0x1;
	s10 =	sld [smem:$0x3FBA];
	_ =	sdelay $0x3  }
0x34: {  	[smem:$0x3FBA] =	sst s10  }
0x35: {  	s10 =	sld [smem:$0x3FB9];
	_ =	sdelay $0x3  }
0x36: {  	p1 =	seq.s32 s10, $0x1;
	s10 =	sld [smem:$0x3FBA];
	_ =	sdelay $0x3  }
0x37: {  	[smem:$0x3FBA] =	sst s10  }
0x38: {  	s10 =	sld [smem:$0x3FBB]  }
0x39: {  	_ = 	snop;
	(pc) =	sbr.ind lr, $3  }
0x3a: {  	_ = 	snop  }
0x3b: {  	_ = 	snop  }
0x3c: {  	p2 =	seq.s32 s10, $0x1;
	s10 =	sld [smem:$0x3FBA]  }
0x3d: {  	_ =	shalt  }
0x3e: {  	_ =	shalt  }
0x3f: {  	_ =	shalt  }
0x40: {  	_ =	shalt  }
0x41: {  	_ =	shalt  }
0x42: {  	_ =	shalt  }
0x43: {  	_ =	shalt  }
0x44: {  	_ =	shalt  }
0x45: {  	_ =	shalt  }
0x46: {  	_ =	shalt  }
0x47: {  	_ =	shalt  }
0x48: {  	_ =	shalt  }
0x49: {  	_ =	shalt  }
0x4a: {  	_ =	shalt  }
0x4b: {  	_ =	shalt  }
0x4c: {  	_ =	shalt  }
0x4d: {  	_ =	shalt  }
0x4e: {  	_ =	shalt  }
0x4f: {  	_ =	shalt  }
0x50: {  	_ =	shalt  }
0x51: {  	_ =	shalt  }
0x52: {  	_ =	shalt  }
0x53: {  	_ =	shalt  }
0x54: {  	_ =	shalt  }
0x55: {  	_ =	shalt  }
0x56: {  	_ =	shalt  }
0x57: {  	_ =	shalt  }
0x58: {  	_ =	shalt  }
0x59: {  	_ =	shalt  }
0x5a: {  	_ =	shalt  }
0x5b: {  	_ =	shalt  }
0x5c: {  	_ =	shalt  }
0x5d: {  	_ =	shalt  }
0x5e: {  	_ =	shalt  }
0x5f: {  	_ =	shalt  }
0x60: {  	_ =	shalt  }
0x61: {  	_ =	shalt  }
0x62: {  	_ =	shalt  }
0x63: {  	_ =	shalt  }
0x64: {  	_ =	shalt  }
0x65: {  	_ =	shalt  }
0x66: {  	_ =	shalt  }
0x67: {  	_ =	shalt  }
0x68: {  	_ =	shalt  }
0x69: {  	_ =	shalt  }
0x6a: {  	_ =	shalt  }
0x6b: {  	_ =	shalt  }
0x6c: {  	_ =	shalt  }
0x6d: {  	_ =	shalt  }
0x6e: {  	_ =	shalt  }
0x6f: {  	_ =	shalt  }
0x70: {  	_ =	shalt  }
0x71: {  	_ =	shalt  }
0x72: {  	_ =	shalt  }
0x73: {  	_ =	shalt  }
0x74: {  	_ =	shalt  }
0x75: {  	_ =	shalt  }
0x76: {  	_ =	shalt  }
0x77: {  	_ =	shalt  }
0x78: {  	_ =	shalt  }
0x79: {  	_ =	shalt  }
0x7a: {  	_ =	shalt  }
0x7b: {  	_ =	shalt  }
0x7c: {  	_ =	shalt  }
0x7d: {  	_ =	shalt  }
0x7e: {  	_ =	shalt  }
0x7f: {  	_ =	shalt  }
0x80: {  	_ =	shalt  }
0x81: {  	_ =	shalt  }
0x82: {  	_ =	shalt  }
0x83: {  	_ =	shalt  }
0x84: {  	_ =	shalt  }
0x85: {  	_ =	shalt  }
0x86: {  	_ =	shalt  }
0x87: {  	_ =	shalt  }
.Lfunc_end0:
.L_simem_size_0:
called_computation_lowered:
.L_overlay_start_0:
0x88: {  	s2 =	sld [smem:$0x3FD9]  }
0x89: {  	s3 =	sld [smem:$0x3FFE];
	_ =	sdelay $0x1  }
0x8a: {  	s1 =	srdreg.scid  }
0x8b: {  	s0 =	sand.u32 $0x1, s1  }
0x8c: {  	s14 =	sshll.u32 s0, $0xA;
	s2 =	sadd.s32 s3, s2  }
0x8d: {  	s2 =	sadd.s32 s2, s14  }
0x8e: {  	[smem:$0x3FC6] =	sst s2  }
0x8f: {  	_ = 	snop  }
0x90: {  	s2 =	sld [smem:$0x3FD0];
	_ =	sdelay $0x2  }
0x91: {  	s15 =	simm.s32 $0xA;
	s4 =	simm.s32 $0x10  }
0x92: {  	[smem:s4], [sflag:s15] =	dma.local [hbm:s2], $0x1  }
0x93: {  	_ =	swait.eq [sflag:s15], $0x1  }
0x94: {  	[sflag:s15] =	ssyncset.done $0x0  }
0x95: {  	s16 =	sld [smem:$0x10];
	[sflag:s15] =	ssyncadd.s32 $0xFFFFFFFF  }
0x96: {  	s17 =	sld [smem:$0x12];
	(tm) =	ssettm $0x1  }
0x97: {  	s18 =	sld [smem:$0x3FFB];
	_ =	sdelay $0x3  }
0x98: {  	_ =	strace s18  }
0x99: {  	s4 =	sld [smem:$0x3FFC];
	_ =	sdelay $0x3  }
0x9a: {  	_ =	strace s4  }
0x9b: {  	s4 =	sld [smem:$0x3FFD];
	_ =	sdelay $0x3  }
0x9c: {  	_ =	strace s4  }
0x9d: {  	_ =	strace $0x8FFFFFFF  }
0x9e: {  	s19 =	sld [smem:$0x3FDB];
	_ =	sdelay $0x1  }
0x9f: {  	s5 =	simm.s32 $_scs_section_size  }
0xa0: {  	s6 =	simm.s32 $_size__tile_overlayer_lowered;
	s7 =	simm.s32 $_tile_overlayer_lowered  }
0xa1: {  	s22 =	simm.s32 $0x1BFF;
	s21 =	sshll.u32 s7, $0x1;
	s4 =	sadd.s32 s5, s19  }
0xa2: {  	s8 =	simm.s32 $0x0;
	s20 =	sshll.u32 s6, $0x1;
	s6 =	sadd.s32 s21, s4  }
0xa3: {  	[timem:s8], [sflag:s22] =	dma.local [hbm:s6], s20  }
0xa4: {  	_ =	swait.ge [sflag:s22], s20  }
0xa5: {  	s5 =	ssub.s32 $0x0, s20;
	[sflag:s22] =	ssyncset.done $0x0  }
0xa6: {  	[sflag:s22] =	ssyncadd.s32 s5;
	_ =	sdelay $0x1  }
0xa7: {  	s23 =	simm.s32 $0x1B8B  }
0xa8: {  	_ =	swait.ge [sflag:s23], $0x1  }
0xa9: {  	[sflag:s23] =	ssyncset.done $0x0  }
0xaa: {  	s25 =	simm.s32 $0x1B8E;
	s24 =	sld [smem:$0x3FFE];
	[sflag:s23] =	ssyncadd.s32 $0xFFFFFFFF  }
0xab: {  	s26 =	simm.s32 $execute0_lowered;
	[smem:$0x3FD2] =	sst s25  }
0xac: {  	s6 =	sshll.u32 s26, $0x1;
	_ =	strace $0x80000046;
	[dreg:$0x1] =	wrdreg $0xFFFFFFFF  }
0xad: {  	s28 =	simm.s32 $_size_execute0_lowered;
	s4 =	sadd.s32 s4, s6;
	[dreg:$0x0] =	wrdreg $0x0  }
0xae: {  	s6 =	sshll.u32 s28, $0x1;
	[dreg:$0x2] =	wrdreg s4  }
0xaf: {  	[dreg:$0x3] =	wrdreg s6  }
0xb0: {  	[dreg:$0x4] =	wrdreg $0xC0  }
0xb1: {  	_ =	task [dreg:s8], $0x5FFFF  }
0xb2: {  	[dreg:$0x1] =	wrdreg $0xFFFFFFFF  }
0xb3: {  	[dreg:$0x0] =	wrdreg $0x60  }
0xb4: {  	[dreg:$0x2] =	wrdreg s24  }
0xb5: {  	[dreg:$0x3] =	wrdreg s17  }
0xb6: {  	[dreg:$0x4] =	wrdreg s16  }
0xb7: {  	[dreg:$0x5] =	wrdreg $0x9  }
0xb8: {  	_ =	task.clear_ibuf [dreg:s8], $0x6FFFF;
	_ =	strace $0x90000046  }
0xb9: {  	s29 =	simm.s32 $0x9;
	_ =	strace $0x80000048  }
0xba: {  	_ =	swait.ge [sflag:s29], $0x1  }
0xbb: {  	[sflag:s29] =	ssyncadd.s32 $0xFFFFFFFF  }
0xbc: {  	_ =	strace $0x90000048  }
0xbd: {  	_ =	sfence  }
0xbe: {  	s30 =	sld [smem:$0x0];
	_ =	sdelay $0x2  }
0xbf: {  	s31 =	sshll.u32 s1, $0xD;
	s1 =	sshrl.u32 s1, $0x2  }
0xc0: {  	s3 =	sand.u32 $0x4000, s31;
	s1 =	sadd.s32 s1, s30  }
0xc1: {  	s0 =	sor.u32 s3, s0;
	s1 =	sshll.u32 s1, $0x11  }
0xc2: {  	s0 =	sor.u32 s1, s0  }
0xc3: {  	s0 =	sadd.s32 $0x8F2B, s0  }
0xc4: {  	[sflag:s0] =	ssyncadd.remote.s32 $0x1  }
0xc5: {  	_ =	sfence.sel $0xFFFF  }
0xc6: {  	[dreg:$0x0] =	wrdreg $0xFFFFFFFF;
	(pc) =	sbr.abs _section_cstart, $3  }
0xc7: {  	[dreg:$0x1] =	wrdreg $0xFFFFFFFF  }
0xc8: {  	_ =	task.clear_ibuf [dreg:s8], $0x2FFFF;
	_ =	strace $0x9FFFFFFF  }
0xc9: {  	(tm) =	ssettm $0x7FFFFFFF  }
tec
execute0_lowered:
.L_overlay_start_1:
0x0: {  	(tag) =	ssettag $0x1  }
0x1: {  	s1 =	srdreg.scid;
	s0 =	stileid.u32  }
0x2: {  	s2 =	rddreg [dreg:$0x0];
	s15 =	sand.u32 $0x1, s1;
	s30 =	sshll.u32 s0, $0x1  }
0x3: {  	s8 =	rddreg [dreg:$0x1];
	s14 =	sor.u32 s15, s30  }
0x4: {  	s16 =	rddreg [dreg:$0x2];
	s9 =	smul.u32 $0x120, s14  }
0x5: {  	s3 =	simm.s32 $0x0;
	s1 =	rddreg [dreg:$0x3]  }
0x6: {  	[smem:$0x7FF] =	sst s3;
	s4 =	sshrl.u32 s9, $0x3  }
0x7: {  	_ =	strace $0x80000047;
	s5 =	sadd.s32 s8, s4;
	s4 =	simm.s32 $0x2  }
0x8: {  	[tilespmem:s3], [sflag:$0x2] =	stream.linear.gather [hbm4b:s5+s3], $0x60, $0x38;
	[tilespmem:$0x4920] =	vst v63  }
0x9: {  	s17 =	sadd.s32 $0x60, s9;
	_ =	swait.ge [sflag:s4], $0x60  }
0xa: {  	s6 =	sshrl.u32 s17, $0x3;
	[sflag:s4] =	ssyncset.done $0x0  }
0xb: {  	s7 =	simm.s32 $0x60;
	s6 =	sadd.s32 s8, s6;
	[sflag:s4] =	ssyncadd.s32 $0xFFFFFFA0  }
0xc: {  	[tilespmem:s7], [sflag:$0x2] =	stream.linear.gather [hbm4b:s6+s3], $0x60, $0x38;
	[tilespmem:$0x4920] =	vst v63  }
0xd: {  	s18 =	sadd.s32 $0xC0, s9;
	_ =	swait.ge [sflag:s4], $0x60  }
0xe: {  	s9 =	sshrl.u32 s18, $0x3;
	[sflag:s4] =	ssyncset.done $0x0  }
0xf: {  	s8 =	sadd.s32 s8, s9;
	s9 =	simm.s32 $0xC0;
	[sflag:s4] =	ssyncadd.s32 $0xFFFFFFA0  }
0x10: {  	[tilespmem:s9], [sflag:$0x2] =	stream.linear.gather [hbm4b:s8+s3], $0x60, $0x38;
	[tilespmem:$0x4920] =	vst v63  }
0x11: {  	_ =	swait.ge [sflag:s4], $0x60  }
0x12: {  	[sflag:s4] =	ssyncset.done $0x0  }
0x13: {  	s10 =	simm.s32 $0x120;
	[sflag:s4] =	ssyncadd.s32 $0xFFFFFFA0  }
0x14: {  	[tilespmem:s10], [sflag:$0x1] =	stream.indirect.gather [hbm4b:s2+s7], $0x40, s3, s7, $0xb8;
	[tilespmem:$0x4920] =	vst v63  }
0x15: {  	s11 =	simm.s32 $0x1920  }
0x16: {  	[tilespmem:s11], [sflag:$0x1] =	stream.indirect.gather [hbm4b:s2+s7], $0x40, s7, s7, $0xb8;
	[tilespmem:$0x4920] =	vst v63  }
0x17: {  	s12 =	simm.s32 $0x3120;
	s13 =	simm.s32 $0x1  }
0x18: {  	[tilespmem:s12], [sflag:$0x1] =	stream.indirect.gather [hbm4b:s2+s7], $0x40, s9, s7, $0xb8;
	[tilespmem:$0x4920] =	vst v63  }
0x19: {  	_ =	swait.ge [sflag:s13], $0x1800  }
0x1a: {  	[sflag:s13] =	ssyncset.done $0x0  }
0x1b: {  	[sflag:s13] =	ssyncadd.s32 $0xFFFFE800  }
0x1c: {  	_ =	swait.ge [sflag:s13], $0x1800  }
0x1d: {  	[sflag:s13] =	ssyncset.done $0x0  }
0x1e: {  	[sflag:s13] =	ssyncadd.s32 $0xFFFFE800  }
0x1f: {  	s14 =	smul.u32 $0x900, s14;
	_ =	swait.ge [sflag:s13], $0x1800  }
0x20: {  	[sflag:s13] =	ssyncset.done $0x0  }
0x21: {  	s19 =	ssub.s32 $0x2, s15;
	s14 =	sadd.s32 s16, s14;
	[sflag:s13] =	ssyncadd.s32 $0xFFFFE800  }
0x22: {  	[hbm4b:s14+s3] =	stream.linear.scatter [tilespmem:s10], [sflag:$0x2], $0x1800, $0x38;
	[tilespmem:$0x4920] =	vst v63  }
0x23: {  	s31 =	sshrl.u32 s19, $0x1;
	s17 =	sshll.u32 s17, $0x3;
	_ =	swait.ge [sflag:s4], $0x1800  }
0x24: {  	s15 =	sadd.s32 s16, s17;
	s17 =	ssub.s32 s19, s31;
	[sflag:s4] =	ssyncset.done $0x0  }
0x25: {  	s17 =	smax.u32 s17, $0x1;
	[sflag:s4] =	ssyncadd.s32 $0xFFFFE800  }
0x26: {  	[hbm4b:s15+s3] =	stream.linear.scatter [tilespmem:s11], [sflag:$0x2], $0x1800, $0x38;
	[tilespmem:$0x4920] =	vst v63  }
0x27: {  	p0 =	sne.s32 s17, $0x1;
	_ =	swait.ge [sflag:s4], $0x1800  }
.Ltmp0:
0x28: {  	s18 =	sshll.u32 s18, $0x3;
	[sflag:s4] =	ssyncset.done $0x0;
	(pc) =	sbr.rel @!p0 .LBB2_2-.Ltmp0, $4  }
0x29: {  	s16 =	sadd.s32 s16, s18;
	[sflag:s4] =	ssyncadd.s32 $0xFFFFE800  }
0x2a: {  	[hbm4b:s16+s3] =	stream.linear.scatter [tilespmem:s12], [sflag:$0x2], $0x1800, $0x38;
	[tilespmem:$0x4920] =	vst v63  }
0x2b: {  	_ =	swait.ge [sflag:s4], $0x1800  }
0x2c: {  	s17 =	sadd.s32 $0xFFFFFFFF, s17;
	[sflag:s4] =	ssyncset.done $0x0  }
.LBB2_1:
0x2d: {  	p0 =	sne.s32 s17, $0x1;
	s17 =	sadd.s32 $0xFFFFFFFF, s17;
	[sflag:s4] =	ssyncadd.s32 $0xFFFFE800  }
0x2e: {  	[tilespmem:s3], [sflag:$0x2] =	stream.linear.gather [hbm4b:s5+s3], $0x60, $0x38;
	[tilespmem:$0x4920] =	vst v63  }
0x2f: {  	_ =	swait.ge [sflag:s4], $0x60  }
0x30: {  	[sflag:s4] =	ssyncset.done $0x0  }
0x31: {  	[sflag:s4] =	ssyncadd.s32 $0xFFFFFFA0  }
0x32: {  	[tilespmem:s7], [sflag:$0x2] =	stream.linear.gather [hbm4b:s6+s3], $0x60, $0x38;
	[tilespmem:$0x4920] =	vst v63  }
0x33: {  	_ =	swait.ge [sflag:s4], $0x60  }
0x34: {  	[sflag:s4] =	ssyncset.done $0x0  }
0x35: {  	[sflag:s4] =	ssyncadd.s32 $0xFFFFFFA0  }
0x36: {  	[tilespmem:s9], [sflag:$0x2] =	stream.linear.gather [hbm4b:s8+s3], $0x60, $0x38;
	[tilespmem:$0x4920] =	vst v63  }
0x37: {  	_ =	swait.ge [sflag:s4], $0x60  }
0x38: {  	[sflag:s4] =	ssyncset.done $0x0  }
0x39: {  	[sflag:s4] =	ssyncadd.s32 $0xFFFFFFA0  }
0x3a: {  	[tilespmem:s10], [sflag:$0x1] =	stream.indirect.gather [hbm4b:s2+s7], $0x40, s3, s7, $0xb8;
	[tilespmem:$0x4920] =	vst v63  }
0x3b: {  	_ = 	snop  }
0x3c: {  	[tilespmem:s11], [sflag:$0x1] =	stream.indirect.gather [hbm4b:s2+s7], $0x40, s7, s7, $0xb8;
	[tilespmem:$0x4920] =	vst v63  }
0x3d: {  	_ = 	snop  }
0x3e: {  	[tilespmem:s12], [sflag:$0x1] =	stream.indirect.gather [hbm4b:s2+s7], $0x40, s9, s7, $0xb8;
	[tilespmem:$0x4920] =	vst v63  }
0x3f: {  	_ =	swait.ge [sflag:s13], $0x1800  }
0x40: {  	[sflag:s13] =	ssyncset.done $0x0  }
0x41: {  	[sflag:s13] =	ssyncadd.s32 $0xFFFFE800  }
0x42: {  	_ =	swait.ge [sflag:s13], $0x1800  }
0x43: {  	[sflag:s13] =	ssyncset.done $0x0  }
0x44: {  	[sflag:s13] =	ssyncadd.s32 $0xFFFFE800  }
0x45: {  	_ =	swait.ge [sflag:s13], $0x1800  }
0x46: {  	[sflag:s13] =	ssyncset.done $0x0  }
0x47: {  	[sflag:s13] =	ssyncadd.s32 $0xFFFFE800  }
0x48: {  	[hbm4b:s14+s3] =	stream.linear.scatter [tilespmem:s10], [sflag:$0x2], $0x1800, $0x38;
	[tilespmem:$0x4920] =	vst v63  }
0x49: {  	_ =	swait.ge [sflag:s4], $0x1800  }
0x4a: {  	[sflag:s4] =	ssyncset.done $0x0  }
0x4b: {  	[sflag:s4] =	ssyncadd.s32 $0xFFFFE800  }
0x4c: {  	[hbm4b:s15+s3] =	stream.linear.scatter [tilespmem:s11], [sflag:$0x2], $0x1800, $0x38;
	[tilespmem:$0x4920] =	vst v63  }
0x4d: {  	_ =	swait.ge [sflag:s4], $0x1800  }
.Ltmp1:
0x4e: {  	[sflag:s4] =	ssyncset.done $0x0;
	(pc) =	sbr.rel @p0 .LBB2_1-.Ltmp1, $4  }
0x4f: {  	[sflag:s4] =	ssyncadd.s32 $0xFFFFE800  }
0x50: {  	[hbm4b:s16+s3] =	stream.linear.scatter [tilespmem:s12], [sflag:$0x2], $0x1800, $0x38;
	[tilespmem:$0x4920] =	vst v63  }
0x51: {  	_ =	swait.ge [sflag:s4], $0x1800  }
0x52: {  	[sflag:s4] =	ssyncset.done $0x0  }
.LBB2_2:
0x53: {  	[sflag:s4] =	ssyncadd.s32 $0xFFFFE800  }
0x54: {  	_ =	sfence.sel $0x180000  }
0x55: {  	[bflag:$0x0] =	sbarrier.arrive $0xFFFF  }
0x56: {  	p0 =	sne.s32 s0, $0x0;
	_ =	strace $0x90000047  }
0x57: {  	s0 =	sadd.s32 @!p0 $0x100000, s1;
	[bflag:$0x2] =	sbarrier.arrive $0xFFFF  }
0x58: {  	[sflag:s0] =	ssyncadd.tile.s32 @!p0 $0x1;
	_ =	shalt  }
.Lfunc_end2:
_tile_overlayer_lowered:
.L_overlay_start_2:
0x59: {  	(tag) =	ssettag $0x2  }
0x5a: {  	s0 =	rddreg [dreg:$0x0];
	s2 =	stileid.u32  }
0x5b: {  	s1 =	rddreg [dreg:$0x1];
	p0 =	sne.s32 s2, $0x0  }
0x5c: {  	s3 =	rddreg [dreg:$0x2];
	[bflag:$0x3] =	sbarrier.arrive $0xFFFF;
	s2 =	simm.s32 @!p0 $0x1C02  }
0x5d: {  	[timem:s3], [sflag:s2] =	dma.local @!p0 [hbm:s0], s1  }
0x5e: {  	s0 =	simm.s32 @!p0 $0x2  }
0x5f: {  	_ =	swait.ge @!p0 [sflag:s0], s1  }
0x60: {  	s1 =	ssub.s32 @!p0 $0x0, s1;
	[sflag:s0] =	ssyncset.done @!p0 $0x0  }
0x61: {  	[sflag:s0] =	ssyncadd.s32 @!p0 s1  }
0x62: {  	[bflag:$0x3] =	sbarrier.arrive $0xFFFF  }
0x63: {  	_ =	shalt  }

</sc_bundles>
